<compile_context>
chip_gen: v7x
topology: tpu7x:2x2x1
jax: 0.10.2.dev20260603
libtpu: 0.0.44.dev20260713+nightly
codegen_flags: <defaults>
</compile_context>

<pallas_src>
import functools

import jax
import jax.numpy as jnp
from jax import lax
from jax.experimental import pallas as pl
from jax.experimental.pallas import tpu as pltpu
from jax.experimental.pallas import tpu_sc as plsc

_NC = 2
_NS = 16
_NW = _NC * _NS
_W = 128
_K = 32768


def _pad_block(a_ref, o_ref):
    o_ref[:, : a_ref.shape[0]] = jnp.swapaxes(a_ref[...], 0, 1)


def kernel(word_input, embed_weight):
    B, S = word_input.shape
    V, D = embed_weight.shape
    N = B * S
    idx = word_input.T.reshape(N)
    table_t = embed_weight.T

    table_p = pl.pallas_call(
        _pad_block,
        grid=(pl.cdiv(V, _K),),
        in_specs=[pl.BlockSpec((D, _K), lambda i: (0, i))],
        out_specs=pl.BlockSpec((_K, 2 * D), lambda i: (i, 0)),
        out_shape=jax.ShapeDtypeStruct((V, 2 * D), embed_weight.dtype),
        compiler_params=pltpu.CompilerParams(
            dimension_semantics=("parallel",),
            vmem_limit_bytes=56 * 1024 * 1024),
    )(table_t)

    n_per_w = N // _NW
    chunks = n_per_w // _W
    mesh = plsc.VectorSubcoreMesh(core_axis_name="c", subcore_axis_name="s")

    @functools.partial(
        pl.kernel,
        out_type=jax.ShapeDtypeStruct((N, 2 * D), embed_weight.dtype),
        mesh=mesh,
        scratch_types=[
            pltpu.VMEM((n_per_w,), jnp.int32),
            pltpu.VMEM((2, _W, 2 * D), jnp.float32),
            pltpu.SemaphoreType.DMA,
            pltpu.SemaphoreType.DMA,
        ],
    )
    def gather_kernel(table_hbm, idx_hbm, out_hbm, idx_v, rows_v, sem0, sem1):
        wid = lax.axis_index("s") * _NC + lax.axis_index("c")
        base = wid * n_per_w
        pltpu.sync_copy(idx_hbm.at[pl.ds(base, n_per_w)], idx_v)

        def fire(c, buf, sem):
            win = idx_v.at[pl.ds(c * _W, _W)]
            pltpu.async_copy(table_hbm.at[win], rows_v.at[buf], sem)

        def drain(c, buf, sem):
            win = idx_v.at[pl.ds(c * _W, _W)]
            pltpu.make_async_copy(table_hbm.at[win], rows_v.at[buf], sem).wait()
            pltpu.sync_copy(rows_v.at[buf], out_hbm.at[pl.ds(base + c * _W, _W)])

        fire(0, 0, sem0)

        @pl.loop(0, chunks // 2 - 1)
        def _(h):
            c = 2 * h
            fire(c + 1, 1, sem1)
            drain(c, 0, sem0)
            fire(c + 2, 0, sem0)
            drain(c + 1, 1, sem1)

        fire(chunks - 1, 1, sem1)
        drain(chunks - 2, 0, sem0)
        drain(chunks - 1, 1, sem1)

    fused = gather_kernel(table_p, idx)
    out = fused.reshape(S, B, 2 * D)[:, :, :D]
    return jnp.transpose(out, (1, 0, 2))

# --- scband reference (transcript-rebuilt; emitter-appended) ---
"""Pipeline reference for scband-word-feature-59700045414999 (READ-ONLY COPY).

The authoritative reference and input builder live on the scoring server;
editing this copy changes nothing except your own understanding.
"""

import jax, jax.numpy as jnp
import numpy as np

VOCAB = 1000000
DIM = 64

def setup_inputs(seed: int = 0) -> dict:
    key = jax.random.key(seed)
    k1, k2 = jax.random.split(key)
    word_input = jax.random.randint(k1, (4096, 50), 0, VOCAB, dtype=jnp.int64 if jax.config.jax_enable_x64 else jnp.int32)
    embed_weight = jax.random.normal(k2, (VOCAB, DIM), dtype=jnp.float32) * 0.02
    return {"word_input": word_input, "embed_weight": embed_weight}

def reference(word_input, embed_weight):
    # nn.Embedding forward: table gather by indices
    return jnp.take(embed_weight, word_input, axis=0)

if __name__ == "__main__":
    import jax
    _d = setup_inputs()
    print(jax.jit(kernel)(*tuple(_d.values())))

</pallas_src>

<mosaic_0001>
#map = affine_map<(d0, d1) -> (0, 0)>
#map1 = affine_map<(d0, d1) -> (0)>
module attributes {stable_mosaic.version = 14 : i64} {
  func.func @gather_kernel(%arg0: i32, %arg1: i32, %arg2: memref<1000000x128xf32, #tpu.memory_space<hbm>>, %arg3: memref<204800xi32, #tpu.memory_space<hbm>>, %arg4: memref<204800x128xf32, #tpu.memory_space<hbm>>, %arg5: memref<6400xi32, #tpu.memory_space<vmem>>, %arg6: memref<2x128x128xf32, #tpu.memory_space<vmem>>, %arg7: memref<!tpu.dma_semaphore, #tpu.memory_space<semaphore_mem>>, %arg8: memref<!tpu.dma_semaphore, #tpu.memory_space<semaphore_mem>>) attributes {dimension_semantics = [#tpu.dimension_semantics<core_parallel>, #tpu.dimension_semantics<subcore_parallel>], iteration_bounds = array<i64: 2, 16>, scalar_prefetch = 0 : i64, scratch_operands = 4 : i64, tpu.core_type = #tpu.core_type<sc_vector_subcore>, window_params = [{transform_indices = #map}, {transform_indices = #map1}, {transform_indices = #map}]} {
    %mul3A = arith.constant 2 : i32
    %mul3A_0 = arith.muli %arg1, %mul3A : i32
    %add3A = arith.addi %mul3A_0, %arg0 : i32
    %mul3A_1 = arith.constant 6400 : i32
    %mul3A_2 = arith.muli %add3A, %mul3A_1 : i32
    "tpu.region"() ({
      %run_scoped3A_50 = tpu.sem_alloc : memref<!tpu.dma_semaphore, #tpu.memory_space<semaphore_mem>>
      %dma_start3A_51 = tpu.memref_slice %arg3[%mul3A_2] : memref<204800xi32, #tpu.memory_space<hbm>> -> memref<6400xi32, #tpu.memory_space<hbm>>
      %dma_start3A_52 = tpu.memref_slice %arg3[%mul3A_2] : memref<204800xi32, #tpu.memory_space<hbm>> -> memref<6400xi32, #tpu.memory_space<hbm>>
      tpu.enqueue_dma source(%dma_start3A_52 : memref<6400xi32, #tpu.memory_space<hbm>>) target(%arg5 : memref<6400xi32, #tpu.memory_space<vmem>>) target_semaphore(%run_scoped3A_50 : memref<!tpu.dma_semaphore, #tpu.memory_space<semaphore_mem>>)
      %dma_wait3A_53 = tpu.memref_slice %arg3[%mul3A_2] : memref<204800xi32, #tpu.memory_space<hbm>> -> memref<6400xi32, #tpu.memory_space<hbm>>
      %dma_wait3A_54 = tpu.memref_slice %arg3[%mul3A_2] : memref<204800xi32, #tpu.memory_space<hbm>> -> memref<6400xi32, #tpu.memory_space<hbm>>
      tpu.wait_dma2 semaphore(%run_scoped3A_50 : memref<!tpu.dma_semaphore, #tpu.memory_space<semaphore_mem>>) src(%dma_wait3A_54 : memref<6400xi32, #tpu.memory_space<hbm>>) dst(%arg5 : memref<6400xi32, #tpu.memory_space<vmem>>)
      tpu.yield
    }) : () -> ()
    %dma_start3A = arith.constant 0 : i32
    %dma_start3A_3 = arith.constant 0 : i32
    %dma_start3A_4 = arith.constant 0 : i32
    %dma_start3A_5 = tpu.memref_slice %arg6[%dma_start3A, %dma_start3A_3, %dma_start3A_4] : memref<2x128x128xf32, #tpu.memory_space<vmem>> -> memref<1x128x128xf32, #tpu.memory_space<vmem>>
    %dma_start3A_6 = tpu.memref_squeeze %dma_start3A_5 : memref<1x128x128xf32, #tpu.memory_space<vmem>> -> memref<128x128xf32, #tpu.memory_space<vmem>>
    %dma_start3A_7 = arith.constant 0 : i32
    %dma_start3A_8 = tpu.memref_slice %arg5[%dma_start3A_7] : memref<6400xi32, #tpu.memory_space<vmem>> -> memref<128xi32, #tpu.memory_space<vmem>>
    %dma_start3A_9 = arith.constant 0 : i32
    %dma_start3A_10 = arith.constant 0 : i32
    %dma_start3A_11 = tpu.memref_slice %arg2[%dma_start3A_9, %dma_start3A_10] : memref<1000000x128xf32, #tpu.memory_space<hbm>> -> memref<1000000x128xf32, #tpu.memory_space<hbm>>
    tpu.enqueue_indirect_dma source(%dma_start3A_11 : memref<1000000x128xf32, #tpu.memory_space<hbm>>) target(%dma_start3A_6 : memref<128x128xf32, #tpu.memory_space<vmem>>) offsets(%dma_start3A_8 : memref<128xi32, #tpu.memory_space<vmem>>) semaphore(%arg7 : memref<!tpu.dma_semaphore, #tpu.memory_space<semaphore_mem>>)
    %scan3A = arith.constant 0 : i32
    %scan3A_12 = arith.constant 24 : i32
    %scan3A_13 = arith.addi %scan3A, %scan3A_12 : i32
    %scan3A_14 = arith.constant 1 : i32
    scf.for %scan3A_50 = %scan3A to %scan3A_13 step %scan3A_14  : i32 {
      %mul3A_51 = arith.constant 1 : i32
      %mul3A_52 = arith.muli %scan3A_50, %mul3A_51 : i32
      %add3A_53 = arith.constant 0 : i32
      %add3A_54 = arith.addi %add3A_53, %mul3A_52 : i32
      %mul3A_55 = arith.constant 2 : i32
      %mul3A_56 = arith.muli %mul3A_55, %add3A_54 : i32
      %add3A_57 = arith.constant 1 : i32
      %add3A_58 = arith.addi %mul3A_56, %add3A_57 : i32
      %mul3A_59 = arith.constant 128 : i32
      %mul3A_60 = arith.muli %add3A_58, %mul3A_59 : i32
      %dma_start3A_61 = arith.constant 1 : i32
      %dma_start3A_62 = arith.constant 0 : i32
      %dma_start3A_63 = arith.constant 0 : i32
      %dma_start3A_64 = tpu.memref_slice %arg6[%dma_start3A_61, %dma_start3A_62, %dma_start3A_63] : memref<2x128x128xf32, #tpu.memory_space<vmem>> -> memref<1x128x128xf32, #tpu.memory_space<vmem>>
      %dma_start3A_65 = tpu.memref_squeeze %dma_start3A_64 : memref<1x128x128xf32, #tpu.memory_space<vmem>> -> memref<128x128xf32, #tpu.memory_space<vmem>>
      %dma_start3A_66 = tpu.memref_slice %arg5[%mul3A_60] : memref<6400xi32, #tpu.memory_space<vmem>> -> memref<128xi32, #tpu.memory_space<vmem>>
      %dma_start3A_67 = arith.constant 0 : i32
      %dma_start3A_68 = arith.constant 0 : i32
      %dma_start3A_69 = tpu.memref_slice %arg2[%dma_start3A_67, %dma_start3A_68] : memref<1000000x128xf32, #tpu.memory_space<hbm>> -> memref<1000000x128xf32, #tpu.memory_space<hbm>>
      tpu.enqueue_indirect_dma source(%dma_start3A_69 : memref<1000000x128xf32, #tpu.memory_space<hbm>>) target(%dma_start3A_65 : memref<128x128xf32, #tpu.memory_space<vmem>>) offsets(%dma_start3A_66 : memref<128xi32, #tpu.memory_space<vmem>>) semaphore(%arg8 : memref<!tpu.dma_semaphore, #tpu.memory_space<semaphore_mem>>)
      %mul3A_70 = arith.constant 128 : i32
      %mul3A_71 = arith.muli %mul3A_56, %mul3A_70 : i32
      %dma_wait3A_72 = arith.constant 0 : i32
      %dma_wait3A_73 = arith.constant 0 : i32
      %dma_wait3A_74 = arith.constant 0 : i32
      %dma_wait3A_75 = tpu.memref_slice %arg6[%dma_wait3A_72, %dma_wait3A_73, %dma_wait3A_74] : memref<2x128x128xf32, #tpu.memory_space<vmem>> -> memref<1x128x128xf32, #tpu.memory_space<vmem>>
      %dma_wait3A_76 = tpu.memref_squeeze %dma_wait3A_75 : memref<1x128x128xf32, #tpu.memory_space<vmem>> -> memref<128x128xf32, #tpu.memory_space<vmem>>
      %dma_wait3A_77 = tpu.memref_slice %arg5[%mul3A_71] : memref<6400xi32, #tpu.memory_space<vmem>> -> memref<128xi32, #tpu.memory_space<vmem>>
      %dma_wait3A_78 = arith.constant 0 : i32
      %dma_wait3A_79 = arith.constant 0 : i32
      %dma_wait3A_80 = tpu.memref_slice %arg2[%dma_wait3A_78, %dma_wait3A_79] : memref<1000000x128xf32, #tpu.memory_space<hbm>> -> memref<1000000x128xf32, #tpu.memory_space<hbm>>
      tpu.wait_indirect_dma semaphore(%arg7 : memref<!tpu.dma_semaphore, #tpu.memory_space<semaphore_mem>>) src(%dma_wait3A_80 : memref<1000000x128xf32, #tpu.memory_space<hbm>>) dst(%dma_wait3A_76 : memref<128x128xf32, #tpu.memory_space<vmem>>)
      %mul3A_81 = arith.constant 128 : i32
      %mul3A_82 = arith.muli %mul3A_56, %mul3A_81 : i32
      %add3A_83 = arith.addi %mul3A_2, %mul3A_82 : i32
      %run_scoped3A_84 = arith.constant 0 : i32
      "tpu.region"() ({
        %run_scoped3A_115 = tpu.sem_alloc : memref<!tpu.dma_semaphore, #tpu.memory_space<semaphore_mem>>
        %dma_start3A_116 = arith.constant 0 : i32
        %dma_start3A_117 = arith.constant 0 : i32
        %dma_start3A_118 = tpu.memref_slice %arg6[%run_scoped3A_84, %dma_start3A_116, %dma_start3A_117] : memref<2x128x128xf32, #tpu.memory_space<vmem>> -> memref<1x128x128xf32, #tpu.memory_space<vmem>>
        %dma_start3A_119 = tpu.memref_squeeze %dma_start3A_118 : memref<1x128x128xf32, #tpu.memory_space<vmem>> -> memref<128x128xf32, #tpu.memory_space<vmem>>
        %dma_start3A_120 = arith.constant 0 : i32
        %dma_start3A_121 = tpu.memref_slice %arg4[%add3A_83, %dma_start3A_120] : memref<204800x128xf32, #tpu.memory_space<hbm>> -> memref<128x128xf32, #tpu.memory_space<hbm>>
        %dma_start3A_122 = arith.constant 0 : i32
        %dma_start3A_123 = tpu.memref_slice %arg4[%add3A_83, %dma_start3A_122] : memref<204800x128xf32, #tpu.memory_space<hbm>> -> memref<128x128xf32, #tpu.memory_space<hbm>>
        %dma_start3A_124 = arith.constant 0 : i32
        %dma_start3A_125 = arith.constant 0 : i32
        %dma_start3A_126 = tpu.memref_slice %arg6[%run_scoped3A_84, %dma_start3A_124, %dma_start3A_125] : memref<2x128x128xf32, #tpu.memory_space<vmem>> -> memref<1x128x128xf32, #tpu.memory_space<vmem>>
        %dma_start3A_127 = tpu.memref_squeeze %dma_start3A_126 : memref<1x128x128xf32, #tpu.memory_space<vmem>> -> memref<128x128xf32, #tpu.memory_space<vmem>>
        tpu.enqueue_dma source(%dma_start3A_127 : memref<128x128xf32, #tpu.memory_space<vmem>>) target(%dma_start3A_123 : memref<128x128xf32, #tpu.memory_space<hbm>>) target_semaphore(%run_scoped3A_115 : memref<!tpu.dma_semaphore, #tpu.memory_space<semaphore_mem>>)
        %dma_wait3A_128 = arith.constant 0 : i32
        %dma_wait3A_129 = arith.constant 0 : i32
        %dma_wait3A_130 = tpu.memref_slice %arg6[%run_scoped3A_84, %dma_wait3A_128, %dma_wait3A_129] : memref<2x128x128xf32, #tpu.memory_space<vmem>> -> memref<1x128x128xf32, #tpu.memory_space<vmem>>
        %dma_wait3A_131 = tpu.memref_squeeze %dma_wait3A_130 : memref<1x128x128xf32, #tpu.memory_space<vmem>> -> memref<128x128xf32, #tpu.memory_space<vmem>>
        %dma_wait3A_132 = arith.constant 0 : i32
        %dma_wait3A_133 = tpu.memref_slice %arg4[%add3A_83, %dma_wait3A_132] : memref<204800x128xf32, #tpu.memory_space<hbm>> -> memref<128x128xf32, #tpu.memory_space<hbm>>
        %dma_wait3A_134 = arith.constant 0 : i32
        %dma_wait3A_135 = tpu.memref_slice %arg4[%add3A_83, %dma_wait3A_134] : memref<204800x128xf32, #tpu.memory_space<hbm>> -> memref<128x128xf32, #tpu.memory_space<hbm>>
        %dma_wait3A_136 = arith.constant 0 : i32
        %dma_wait3A_137 = arith.constant 0 : i32
        %dma_wait3A_138 = tpu.memref_slice %arg6[%run_scoped3A_84, %dma_wait3A_136, %dma_wait3A_137] : memref<2x128x128xf32, #tpu.memory_space<vmem>> -> memref<1x128x128xf32, #tpu.memory_space<vmem>>
        %dma_wait3A_139 = tpu.memref_squeeze %dma_wait3A_138 : memref<1x128x128xf32, #tpu.memory_space<vmem>> -> memref<128x128xf32, #tpu.memory_space<vmem>>
        tpu.wait_dma2 semaphore(%run_scoped3A_115 : memref<!tpu.dma_semaphore, #tpu.memory_space<semaphore_mem>>) src(%dma_wait3A_139 : memref<128x128xf32, #tpu.memory_space<vmem>>) dst(%dma_wait3A_135 : memref<128x128xf32, #tpu.memory_space<hbm>>)
        tpu.yield
      }) : () -> ()
      %add3A_85 = arith.constant 2 : i32
      %add3A_86 = arith.addi %mul3A_56, %add3A_85 : i32
      %mul3A_87 = arith.constant 128 : i32
      %mul3A_88 = arith.muli %add3A_86, %mul3A_87 : i32
      %dma_start3A_89 = arith.constant 0 : i32
      %dma_start3A_90 = arith.constant 0 : i32
      %dma_start3A_91 = arith.constant 0 : i32
      %dma_start3A_92 = tpu.memref_slice %arg6[%dma_start3A_89, %dma_start3A_90, %dma_start3A_91] : memref<2x128x128xf32, #tpu.memory_space<vmem>> -> memref<1x128x128xf32, #tpu.memory_space<vmem>>
      %dma_start3A_93 = tpu.memref_squeeze %dma_start3A_92 : memref<1x128x128xf32, #tpu.memory_space<vmem>> -> memref<128x128xf32, #tpu.memory_space<vmem>>
      %dma_start3A_94 = tpu.memref_slice %arg5[%mul3A_88] : memref<6400xi32, #tpu.memory_space<vmem>> -> memref<128xi32, #tpu.memory_space<vmem>>
      %dma_start3A_95 = arith.constant 0 : i32
      %dma_start3A_96 = arith.constant 0 : i32
      %dma_start3A_97 = tpu.memref_slice %arg2[%dma_start3A_95, %dma_start3A_96] : memref<1000000x128xf32, #tpu.memory_space<hbm>> -> memref<1000000x128xf32, #tpu.memory_space<hbm>>
      tpu.enqueue_indirect_dma source(%dma_start3A_97 : memref<1000000x128xf32, #tpu.memory_space<hbm>>) target(%dma_start3A_93 : memref<128x128xf32, #tpu.memory_space<vmem>>) offsets(%dma_start3A_94 : memref<128xi32, #tpu.memory_space<vmem>>) semaphore(%arg7 : memref<!tpu.dma_semaphore, #tpu.memory_space<semaphore_mem>>)
      %add3A_98 = arith.constant 1 : i32
      %add3A_99 = arith.addi %mul3A_56, %add3A_98 : i32
      %mul3A_100 = arith.constant 128 : i32
      %mul3A_101 = arith.muli %add3A_99, %mul3A_100 : i32
      %dma_wait3A_102 = arith.constant 1 : i32
      %dma_wait3A_103 = arith.constant 0 : i32
      %dma_wait3A_104 = arith.constant 0 : i32
      %dma_wait3A_105 = tpu.memref_slice %arg6[%dma_wait3A_102, %dma_wait3A_103, %dma_wait3A_104] : memref<2x128x128xf32, #tpu.memory_space<vmem>> -> memref<1x128x128xf32, #tpu.memory_space<vmem>>
      %dma_wait3A_106 = tpu.memref_squeeze %dma_wait3A_105 : memref<1x128x128xf32, #tpu.memory_space<vmem>> -> memref<128x128xf32, #tpu.memory_space<vmem>>
      %dma_wait3A_107 = tpu.memref_slice %arg5[%mul3A_101] : memref<6400xi32, #tpu.memory_space<vmem>> -> memref<128xi32, #tpu.memory_space<vmem>>
      %dma_wait3A_108 = arith.constant 0 : i32
      %dma_wait3A_109 = arith.constant 0 : i32
      %dma_wait3A_110 = tpu.memref_slice %arg2[%dma_wait3A_108, %dma_wait3A_109] : memref<1000000x128xf32, #tpu.memory_space<hbm>> -> memref<1000000x128xf32, #tpu.memory_space<hbm>>
      tpu.wait_indirect_dma semaphore(%arg8 : memref<!tpu.dma_semaphore, #tpu.memory_space<semaphore_mem>>) src(%dma_wait3A_110 : memref<1000000x128xf32, #tpu.memory_space<hbm>>) dst(%dma_wait3A_106 : memref<128x128xf32, #tpu.memory_space<vmem>>)
      %mul3A_111 = arith.constant 128 : i32
      %mul3A_112 = arith.muli %add3A_99, %mul3A_111 : i32
      %add3A_113 = arith.addi %mul3A_2, %mul3A_112 : i32
      %run_scoped3A_114 = arith.constant 1 : i32
      "tpu.region"() ({
        %run_scoped3A_115 = tpu.sem_alloc : memref<!tpu.dma_semaphore, #tpu.memory_space<semaphore_mem>>
        %dma_start3A_116 = arith.constant 0 : i32
        %dma_start3A_117 = arith.constant 0 : i32
        %dma_start3A_118 = tpu.memref_slice %arg6[%run_scoped3A_114, %dma_start3A_116, %dma_start3A_117] : memref<2x128x128xf32, #tpu.memory_space<vmem>> -> memref<1x128x128xf32, #tpu.memory_space<vmem>>
        %dma_start3A_119 = tpu.memref_squeeze %dma_start3A_118 : memref<1x128x128xf32, #tpu.memory_space<vmem>> -> memref<128x128xf32, #tpu.memory_space<vmem>>
        %dma_start3A_120 = arith.constant 0 : i32
        %dma_start3A_121 = tpu.memref_slice %arg4[%add3A_113, %dma_start3A_120] : memref<204800x128xf32, #tpu.memory_space<hbm>> -> memref<128x128xf32, #tpu.memory_space<hbm>>
        %dma_start3A_122 = arith.constant 0 : i32
        %dma_start3A_123 = tpu.memref_slice %arg4[%add3A_113, %dma_start3A_122] : memref<204800x128xf32, #tpu.memory_space<hbm>> -> memref<128x128xf32, #tpu.memory_space<hbm>>
        %dma_start3A_124 = arith.constant 0 : i32
        %dma_start3A_125 = arith.constant 0 : i32
        %dma_start3A_126 = tpu.memref_slice %arg6[%run_scoped3A_114, %dma_start3A_124, %dma_start3A_125] : memref<2x128x128xf32, #tpu.memory_space<vmem>> -> memref<1x128x128xf32, #tpu.memory_space<vmem>>
        %dma_start3A_127 = tpu.memref_squeeze %dma_start3A_126 : memref<1x128x128xf32, #tpu.memory_space<vmem>> -> memref<128x128xf32, #tpu.memory_space<vmem>>
        tpu.enqueue_dma source(%dma_start3A_127 : memref<128x128xf32, #tpu.memory_space<vmem>>) target(%dma_start3A_123 : memref<128x128xf32, #tpu.memory_space<hbm>>) target_semaphore(%run_scoped3A_115 : memref<!tpu.dma_semaphore, #tpu.memory_space<semaphore_mem>>)
        %dma_wait3A_128 = arith.constant 0 : i32
        %dma_wait3A_129 = arith.constant 0 : i32
        %dma_wait3A_130 = tpu.memref_slice %arg6[%run_scoped3A_114, %dma_wait3A_128, %dma_wait3A_129] : memref<2x128x128xf32, #tpu.memory_space<vmem>> -> memref<1x128x128xf32, #tpu.memory_space<vmem>>
        %dma_wait3A_131 = tpu.memref_squeeze %dma_wait3A_130 : memref<1x128x128xf32, #tpu.memory_space<vmem>> -> memref<128x128xf32, #tpu.memory_space<vmem>>
        %dma_wait3A_132 = arith.constant 0 : i32
        %dma_wait3A_133 = tpu.memref_slice %arg4[%add3A_113, %dma_wait3A_132] : memref<204800x128xf32, #tpu.memory_space<hbm>> -> memref<128x128xf32, #tpu.memory_space<hbm>>
        %dma_wait3A_134 = arith.constant 0 : i32
        %dma_wait3A_135 = tpu.memref_slice %arg4[%add3A_113, %dma_wait3A_134] : memref<204800x128xf32, #tpu.memory_space<hbm>> -> memref<128x128xf32, #tpu.memory_space<hbm>>
        %dma_wait3A_136 = arith.constant 0 : i32
        %dma_wait3A_137 = arith.constant 0 : i32
        %dma_wait3A_138 = tpu.memref_slice %arg6[%run_scoped3A_114, %dma_wait3A_136, %dma_wait3A_137] : memref<2x128x128xf32, #tpu.memory_space<vmem>> -> memref<1x128x128xf32, #tpu.memory_space<vmem>>
        %dma_wait3A_139 = tpu.memref_squeeze %dma_wait3A_138 : memref<1x128x128xf32, #tpu.memory_space<vmem>> -> memref<128x128xf32, #tpu.memory_space<vmem>>
        tpu.wait_dma2 semaphore(%run_scoped3A_115 : memref<!tpu.dma_semaphore, #tpu.memory_space<semaphore_mem>>) src(%dma_wait3A_139 : memref<128x128xf32, #tpu.memory_space<vmem>>) dst(%dma_wait3A_135 : memref<128x128xf32, #tpu.memory_space<hbm>>)
        tpu.yield
      }) : () -> ()
    }
    %scan3A_15 = arith.constant 24 : i32
    %dma_start3A_16 = arith.constant 1 : i32
    %dma_start3A_17 = arith.constant 0 : i32
    %dma_start3A_18 = arith.constant 0 : i32
    %dma_start3A_19 = tpu.memref_slice %arg6[%dma_start3A_16, %dma_start3A_17, %dma_start3A_18] : memref<2x128x128xf32, #tpu.memory_space<vmem>> -> memref<1x128x128xf32, #tpu.memory_space<vmem>>
    %dma_start3A_20 = tpu.memref_squeeze %dma_start3A_19 : memref<1x128x128xf32, #tpu.memory_space<vmem>> -> memref<128x128xf32, #tpu.memory_space<vmem>>
    %dma_start3A_21 = arith.constant 6272 : i32
    %dma_start3A_22 = tpu.memref_slice %arg5[%dma_start3A_21] : memref<6400xi32, #tpu.memory_space<vmem>> -> memref<128xi32, #tpu.memory_space<vmem>>
    %dma_start3A_23 = arith.constant 0 : i32
    %dma_start3A_24 = arith.constant 0 : i32
    %dma_start3A_25 = tpu.memref_slice %arg2[%dma_start3A_23, %dma_start3A_24] : memref<1000000x128xf32, #tpu.memory_space<hbm>> -> memref<1000000x128xf32, #tpu.memory_space<hbm>>
    tpu.enqueue_indirect_dma source(%dma_start3A_25 : memref<1000000x128xf32, #tpu.memory_space<hbm>>) target(%dma_start3A_20 : memref<128x128xf32, #tpu.memory_space<vmem>>) offsets(%dma_start3A_22 : memref<128xi32, #tpu.memory_space<vmem>>) semaphore(%arg8 : memref<!tpu.dma_semaphore, #tpu.memory_space<semaphore_mem>>)
    %dma_wait3A = arith.constant 0 : i32
    %dma_wait3A_26 = arith.constant 0 : i32
    %dma_wait3A_27 = arith.constant 0 : i32
    %dma_wait3A_28 = tpu.memref_slice %arg6[%dma_wait3A, %dma_wait3A_26, %dma_wait3A_27] : memref<2x128x128xf32, #tpu.memory_space<vmem>> -> memref<1x128x128xf32, #tpu.memory_space<vmem>>
    %dma_wait3A_29 = tpu.memref_squeeze %dma_wait3A_28 : memref<1x128x128xf32, #tpu.memory_space<vmem>> -> memref<128x128xf32, #tpu.memory_space<vmem>>
    %dma_wait3A_30 = arith.constant 6144 : i32
    %dma_wait3A_31 = tpu.memref_slice %arg5[%dma_wait3A_30] : memref<6400xi32, #tpu.memory_space<vmem>> -> memref<128xi32, #tpu.memory_space<vmem>>
    %dma_wait3A_32 = arith.constant 0 : i32
    %dma_wait3A_33 = arith.constant 0 : i32
    %dma_wait3A_34 = tpu.memref_slice %arg2[%dma_wait3A_32, %dma_wait3A_33] : memref<1000000x128xf32, #tpu.memory_space<hbm>> -> memref<1000000x128xf32, #tpu.memory_space<hbm>>
    tpu.wait_indirect_dma semaphore(%arg7 : memref<!tpu.dma_semaphore, #tpu.memory_space<semaphore_mem>>) src(%dma_wait3A_34 : memref<1000000x128xf32, #tpu.memory_space<hbm>>) dst(%dma_wait3A_29 : memref<128x128xf32, #tpu.memory_space<vmem>>)
    %add3A_35 = arith.constant 6144 : i32
    %add3A_36 = arith.addi %mul3A_2, %add3A_35 : i32
    %run_scoped3A = arith.constant 0 : i32
    "tpu.region"() ({
      %run_scoped3A_50 = tpu.sem_alloc : memref<!tpu.dma_semaphore, #tpu.memory_space<semaphore_mem>>
      %dma_start3A_51 = arith.constant 0 : i32
      %dma_start3A_52 = arith.constant 0 : i32
      %dma_start3A_53 = tpu.memref_slice %arg6[%run_scoped3A, %dma_start3A_51, %dma_start3A_52] : memref<2x128x128xf32, #tpu.memory_space<vmem>> -> memref<1x128x128xf32, #tpu.memory_space<vmem>>
      %dma_start3A_54 = tpu.memref_squeeze %dma_start3A_53 : memref<1x128x128xf32, #tpu.memory_space<vmem>> -> memref<128x128xf32, #tpu.memory_space<vmem>>
      %dma_start3A_55 = arith.constant 0 : i32
      %dma_start3A_56 = tpu.memref_slice %arg4[%add3A_36, %dma_start3A_55] : memref<204800x128xf32, #tpu.memory_space<hbm>> -> memref<128x128xf32, #tpu.memory_space<hbm>>
      %dma_start3A_57 = arith.constant 0 : i32
      %dma_start3A_58 = tpu.memref_slice %arg4[%add3A_36, %dma_start3A_57] : memref<204800x128xf32, #tpu.memory_space<hbm>> -> memref<128x128xf32, #tpu.memory_space<hbm>>
      %dma_start3A_59 = arith.constant 0 : i32
      %dma_start3A_60 = arith.constant 0 : i32
      %dma_start3A_61 = tpu.memref_slice %arg6[%run_scoped3A, %dma_start3A_59, %dma_start3A_60] : memref<2x128x128xf32, #tpu.memory_space<vmem>> -> memref<1x128x128xf32, #tpu.memory_space<vmem>>
      %dma_start3A_62 = tpu.memref_squeeze %dma_start3A_61 : memref<1x128x128xf32, #tpu.memory_space<vmem>> -> memref<128x128xf32, #tpu.memory_space<vmem>>
      tpu.enqueue_dma source(%dma_start3A_62 : memref<128x128xf32, #tpu.memory_space<vmem>>) target(%dma_start3A_58 : memref<128x128xf32, #tpu.memory_space<hbm>>) target_semaphore(%run_scoped3A_50 : memref<!tpu.dma_semaphore, #tpu.memory_space<semaphore_mem>>)
      %dma_wait3A_63 = arith.constant 0 : i32
      %dma_wait3A_64 = arith.constant 0 : i32
      %dma_wait3A_65 = tpu.memref_slice %arg6[%run_scoped3A, %dma_wait3A_63, %dma_wait3A_64] : memref<2x128x128xf32, #tpu.memory_space<vmem>> -> memref<1x128x128xf32, #tpu.memory_space<vmem>>
      %dma_wait3A_66 = tpu.memref_squeeze %dma_wait3A_65 : memref<1x128x128xf32, #tpu.memory_space<vmem>> -> memref<128x128xf32, #tpu.memory_space<vmem>>
      %dma_wait3A_67 = arith.constant 0 : i32
      %dma_wait3A_68 = tpu.memref_slice %arg4[%add3A_36, %dma_wait3A_67] : memref<204800x128xf32, #tpu.memory_space<hbm>> -> memref<128x128xf32, #tpu.memory_space<hbm>>
      %dma_wait3A_69 = arith.constant 0 : i32
      %dma_wait3A_70 = tpu.memref_slice %arg4[%add3A_36, %dma_wait3A_69] : memref<204800x128xf32, #tpu.memory_space<hbm>> -> memref<128x128xf32, #tpu.memory_space<hbm>>
      %dma_wait3A_71 = arith.constant 0 : i32
      %dma_wait3A_72 = arith.constant 0 : i32
      %dma_wait3A_73 = tpu.memref_slice %arg6[%run_scoped3A, %dma_wait3A_71, %dma_wait3A_72] : memref<2x128x128xf32, #tpu.memory_space<vmem>> -> memref<1x128x128xf32, #tpu.memory_space<vmem>>
      %dma_wait3A_74 = tpu.memref_squeeze %dma_wait3A_73 : memref<1x128x128xf32, #tpu.memory_space<vmem>> -> memref<128x128xf32, #tpu.memory_space<vmem>>
      tpu.wait_dma2 semaphore(%run_scoped3A_50 : memref<!tpu.dma_semaphore, #tpu.memory_space<semaphore_mem>>) src(%dma_wait3A_74 : memref<128x128xf32, #tpu.memory_space<vmem>>) dst(%dma_wait3A_70 : memref<128x128xf32, #tpu.memory_space<hbm>>)
      tpu.yield
    }) : () -> ()
    %dma_wait3A_37 = arith.constant 1 : i32
    %dma_wait3A_38 = arith.constant 0 : i32
    %dma_wait3A_39 = arith.constant 0 : i32
    %dma_wait3A_40 = tpu.memref_slice %arg6[%dma_wait3A_37, %dma_wait3A_38, %dma_wait3A_39] : memref<2x128x128xf32, #tpu.memory_space<vmem>> -> memref<1x128x128xf32, #tpu.memory_space<vmem>>
    %dma_wait3A_41 = tpu.memref_squeeze %dma_wait3A_40 : memref<1x128x128xf32, #tpu.memory_space<vmem>> -> memref<128x128xf32, #tpu.memory_space<vmem>>
    %dma_wait3A_42 = arith.constant 6272 : i32
    %dma_wait3A_43 = tpu.memref_slice %arg5[%dma_wait3A_42] : memref<6400xi32, #tpu.memory_space<vmem>> -> memref<128xi32, #tpu.memory_space<vmem>>
    %dma_wait3A_44 = arith.constant 0 : i32
    %dma_wait3A_45 = arith.constant 0 : i32
    %dma_wait3A_46 = tpu.memref_slice %arg2[%dma_wait3A_44, %dma_wait3A_45] : memref<1000000x128xf32, #tpu.memory_space<hbm>> -> memref<1000000x128xf32, #tpu.memory_space<hbm>>
    tpu.wait_indirect_dma semaphore(%arg8 : memref<!tpu.dma_semaphore, #tpu.memory_space<semaphore_mem>>) src(%dma_wait3A_46 : memref<1000000x128xf32, #tpu.memory_space<hbm>>) dst(%dma_wait3A_41 : memref<128x128xf32, #tpu.memory_space<vmem>>)
    %add3A_47 = arith.constant 6272 : i32
    %add3A_48 = arith.addi %mul3A_2, %add3A_47 : i32
    %run_scoped3A_49 = arith.constant 1 : i32
    "tpu.region"() ({
      %run_scoped3A_50 = tpu.sem_alloc : memref<!tpu.dma_semaphore, #tpu.memory_space<semaphore_mem>>
      %dma_start3A_51 = arith.constant 0 : i32
      %dma_start3A_52 = arith.constant 0 : i32
      %dma_start3A_53 = tpu.memref_slice %arg6[%run_scoped3A_49, %dma_start3A_51, %dma_start3A_52] : memref<2x128x128xf32, #tpu.memory_space<vmem>> -> memref<1x128x128xf32, #tpu.memory_space<vmem>>
      %dma_start3A_54 = tpu.memref_squeeze %dma_start3A_53 : memref<1x128x128xf32, #tpu.memory_space<vmem>> -> memref<128x128xf32, #tpu.memory_space<vmem>>
      %dma_start3A_55 = arith.constant 0 : i32
      %dma_start3A_56 = tpu.memref_slice %arg4[%add3A_48, %dma_start3A_55] : memref<204800x128xf32, #tpu.memory_space<hbm>> -> memref<128x128xf32, #tpu.memory_space<hbm>>
      %dma_start3A_57 = arith.constant 0 : i32
      %dma_start3A_58 = tpu.memref_slice %arg4[%add3A_48, %dma_start3A_57] : memref<204800x128xf32, #tpu.memory_space<hbm>> -> memref<128x128xf32, #tpu.memory_space<hbm>>
      %dma_start3A_59 = arith.constant 0 : i32
      %dma_start3A_60 = arith.constant 0 : i32
      %dma_start3A_61 = tpu.memref_slice %arg6[%run_scoped3A_49, %dma_start3A_59, %dma_start3A_60] : memref<2x128x128xf32, #tpu.memory_space<vmem>> -> memref<1x128x128xf32, #tpu.memory_space<vmem>>
      %dma_start3A_62 = tpu.memref_squeeze %dma_start3A_61 : memref<1x128x128xf32, #tpu.memory_space<vmem>> -> memref<128x128xf32, #tpu.memory_space<vmem>>
      tpu.enqueue_dma source(%dma_start3A_62 : memref<128x128xf32, #tpu.memory_space<vmem>>) target(%dma_start3A_58 : memref<128x128xf32, #tpu.memory_space<hbm>>) target_semaphore(%run_scoped3A_50 : memref<!tpu.dma_semaphore, #tpu.memory_space<semaphore_mem>>)
      %dma_wait3A_63 = arith.constant 0 : i32
      %dma_wait3A_64 = arith.constant 0 : i32
      %dma_wait3A_65 = tpu.memref_slice %arg6[%run_scoped3A_49, %dma_wait3A_63, %dma_wait3A_64] : memref<2x128x128xf32, #tpu.memory_space<vmem>> -> memref<1x128x128xf32, #tpu.memory_space<vmem>>
      %dma_wait3A_66 = tpu.memref_squeeze %dma_wait3A_65 : memref<1x128x128xf32, #tpu.memory_space<vmem>> -> memref<128x128xf32, #tpu.memory_space<vmem>>
      %dma_wait3A_67 = arith.constant 0 : i32
      %dma_wait3A_68 = tpu.memref_slice %arg4[%add3A_48, %dma_wait3A_67] : memref<204800x128xf32, #tpu.memory_space<hbm>> -> memref<128x128xf32, #tpu.memory_space<hbm>>
      %dma_wait3A_69 = arith.constant 0 : i32
      %dma_wait3A_70 = tpu.memref_slice %arg4[%add3A_48, %dma_wait3A_69] : memref<204800x128xf32, #tpu.memory_space<hbm>> -> memref<128x128xf32, #tpu.memory_space<hbm>>
      %dma_wait3A_71 = arith.constant 0 : i32
      %dma_wait3A_72 = arith.constant 0 : i32
      %dma_wait3A_73 = tpu.memref_slice %arg6[%run_scoped3A_49, %dma_wait3A_71, %dma_wait3A_72] : memref<2x128x128xf32, #tpu.memory_space<vmem>> -> memref<1x128x128xf32, #tpu.memory_space<vmem>>
      %dma_wait3A_74 = tpu.memref_squeeze %dma_wait3A_73 : memref<1x128x128xf32, #tpu.memory_space<vmem>> -> memref<128x128xf32, #tpu.memory_space<vmem>>
      tpu.wait_dma2 semaphore(%run_scoped3A_50 : memref<!tpu.dma_semaphore, #tpu.memory_space<semaphore_mem>>) src(%dma_wait3A_74 : memref<128x128xf32, #tpu.memory_space<vmem>>) dst(%dma_wait3A_70 : memref<128x128xf32, #tpu.memory_space<hbm>>)
      tpu.yield
    }) : () -> ()
    return
  }
}

module attributes {stable_mosaic.version = 14 : i64} {
  func.func @_pad_block(%arg0: i32, %arg1: memref<64x32768xf32, #tpu.memory_space<vmem>>, %arg2: memref<32768x128xf32, #tpu.memory_space<vmem>>) attributes {dimension_semantics = [#tpu.dimension_semantics<parallel>], iteration_bounds = array<i64: 31>, scalar_prefetch = 0 : i64, scratch_operands = 0 : i64, tpu.core_type = #tpu.core_type<tc>, window_params = [{transform_indices = @transform_0, window_bounds = array<i64: 64, 32768>}, {transform_indices = @transform_1, window_bounds = array<i64: 32768, 128>}]} {
    %get3A = arith.constant 0 : index
    %get3A_0 = arith.constant 0 : index
    %get3A_1 = vector.load %arg1[%get3A, %get3A_0] : memref<64x32768xf32, #tpu.memory_space<vmem>>, vector<64x32768xf32>
    %transpose3A = tpu.transpose %get3A_1, [1, 0] : vector<64x32768xf32> -> vector<32768x64xf32>
    %swap3A = arith.constant 0 : index
    %swap3A_2 = arith.constant 0 : index
    %swap3A_3 = vector.load %arg2[%swap3A, %swap3A_2] : memref<32768x128xf32, #tpu.memory_space<vmem>>, vector<32768x64xf32>
    tpu.vector_store %arg2[%swap3A, %swap3A_2], %transpose3A {strides = array<i32>} : memref<32768x128xf32, #tpu.memory_space<vmem>>, vector<32768x64xf32>,
    return
  }
  func.func @transform_0(%arg0: i32) -> (i32, i32) {
    %c0_i32 = arith.constant 0 : i32
    %c0_i32_0 = arith.constant 0 : i32
    return %c0_i32, %arg0 : i32, i32
  }
  func.func @transform_1(%arg0: i32) -> (i32, i32) {
    %c0_i32 = arith.constant 0 : i32
    %c0_i32_0 = arith.constant 0 : i32
    return %arg0, %c0_i32 : i32, i32
  }
}

</mosaic_0001>

<sc_bundles>
// kernel: kernel.4.cloned.1.call-start
scs
__scs_entry_jumppad:
0x0: {  	(pc) =	sbr.rel $0x88, $3  }
0x1: {  	(tag) =	ssettag $0x0;
	lr =	simm.s32 $0x1  }
0x2: {  	[smem:$0x3F9F] =	sst lr;
	_ =	strace $0xD0000000  }
0x3: {  	_ = 	snop  }
0x4: {  	_ = 	snop  }
0x5: {  	_ = 	snop  }
0x6: {  	_ = 	snop  }
0x7: {  	_ = 	snop  }
__scs_overlays_trampoline_lowered:
0x8: {  	[smem:$0x3FAE] =	sst s0  }
0x9: {  	[smem:$0x3FAF] =	sst s1  }
0xa: {  	[smem:$0x3FB0] =	sst s2  }
0xb: {  	[smem:$0x3FB1] =	sst s3  }
0xc: {  	[smem:$0x3FB2] =	sst s4  }
0xd: {  	[smem:$0x3FB3] =	sst s5  }
0xe: {  	[smem:$0x3FB4] =	sst s6  }
0xf: {  	[smem:$0x3FB5] =	sst s7  }
0x10: {  	[smem:$0x3FB6] =	sst s8  }
0x11: {  	[smem:$0x3FB7] =	sst s9;
	s0 =	simm.s32 @!p0 $0x0  }
0x12: {  	s1 =	sld [smem:$0x3F9D];
	s0 =	simm.s32 @p0 $0x1  }
0x13: {  	[smem:$0x3FB8] =	sst s0;
	s0 =	simm.s32 @!p1 $0x0  }
0x14: {  	s2 =	sld [smem:$0x3F9C];
	s0 =	simm.s32 @p1 $0x1  }
0x15: {  	[smem:$0x3FB9] =	sst s0;
	s0 =	simm.s32 @!p2 $0x0  }
0x16: {  	s3 =	sld [smem:$0x3FDB];
	s0 =	simm.s32 @p2 $0x1  }
0x17: {  	s4 =	simm.s32 $0x1BF5;
	[smem:$0x3FBB] =	sst s0  }
0x18: {  	s0 =	sld [smem:$0x3F9E];
	_ =	swait.ge [sflag:s4], $0x0  }
0x19: {  	s7 =	sld [smem:$0x3F9F]  }
0x1a: {  	s8 =	sadd.s32 $0xFFFFE003, lr  }
0x1b: {  	s9 =	sadd.s32 $0xFFFFFEF7, lr;
	s5 =	simm.s32 $0xFFFFFFFF;
	p2 =	slt.u32 s8, $0xFFFFF086  }
0x1c: {  	p1 =	slt.u32 s9, $0xF7A;
	s5 =	simm.s32 @!p2 $0x0  }
0x1d: {  	s5 =	simm.s32 @p1 $0x1;
	p0 =	seq.s32 s7, s2  }
0x1e: {  	s7 =	smul.u32 @!p0 $0xF7A, s2;
	p2 =	seq.s32 @!p0 s5, $0x0  }
0x1f: {  	s9 =	smul.u32 $0xF7A, s1;
	s8 =	simm.s32 @!p0 $0x1BF5;
	p2 =	por !p2, p0  }
0x20: {  	[sflag:s8] =	ssyncset.s32 @!p0 $0xFFFFF086;
	s6 =	sadd.s32 @!p0 s3, s7;
	s7 =	simm.s32 @!p0 $0x108  }
0x21: {  	s3 =	sadd.s32 s3, s9;
	s6 =	sadd.s32 @!p0 $0x88, s6;
	s7 =	simm.s32 @p2 $0x1082  }
0x22: {  	[simem:s7], [sflag:s8] =	dma.local @!p0 [hbm:s6], $0xF7A  }
0x23: {  	s9 =	sor.u32 $0xD0000000, s2;
	s6 =	simm.s32 $0x108;
	_ =	swait.ge @!p0 [sflag:s8], $0x0  }
0x24: {  	s3 =	sadd.s32 $0x88, s3;
	s6 =	simm.s32 @!p1 $0x1082;
	[sflag:s4] =	ssyncset.s32 $0xFFFFF086  }
0x25: {  	[simem:s6], [sflag:s4] =	dma.local [hbm:s3], $0xF7A  }
0x26: {  	[smem:$0x3F9F] =	sst s1;
	(tag) =	ssettag s2;
	_ =	strace s9  }
0x27: {  	s1 =	sld [smem:$0x3FAF]  }
0x28: {  	s2 =	sld [smem:$0x3FB0]  }
0x29: {  	s4 =	sld [smem:$0x3FB2]  }
0x2a: {  	p0 =	seq.s32 s5, $0x0;
	s5 =	sld [smem:$0x3FB3]  }
0x2b: {  	s6 =	sld [smem:$0x3FB4]  }
0x2c: {  	s7 =	sld [smem:$0x3FB5]  }
0x2d: {  	s3 =	simm.s32 $0x108;
	s8 =	sld [smem:$0x3FB6]  }
0x2e: {  	s3 =	simm.s32 @!p0 $0x1082;
	s9 =	sld [smem:$0x3FB7]  }
0x2f: {  	lr =	sadd.s32 s0, s3;
	s0 =	sld [smem:$0x3FAE]  }
0x30: {  	s3 =	sld [smem:$0x3FB1]  }
0x31: {  	[smem:$0x3FBA] =	sst s10  }
0x32: {  	s10 =	sld [smem:$0x3FB8];
	_ =	sdelay $0x3  }
0x33: {  	p0 =	seq.s32 s10, $0x1;
	s10 =	sld [smem:$0x3FBA];
	_ =	sdelay $0x3  }
0x34: {  	[smem:$0x3FBA] =	sst s10  }
0x35: {  	s10 =	sld [smem:$0x3FB9];
	_ =	sdelay $0x3  }
0x36: {  	p1 =	seq.s32 s10, $0x1;
	s10 =	sld [smem:$0x3FBA];
	_ =	sdelay $0x3  }
0x37: {  	[smem:$0x3FBA] =	sst s10  }
0x38: {  	s10 =	sld [smem:$0x3FBB]  }
0x39: {  	_ = 	snop;
	(pc) =	sbr.ind lr, $3  }
0x3a: {  	_ = 	snop  }
0x3b: {  	_ = 	snop  }
0x3c: {  	p2 =	seq.s32 s10, $0x1;
	s10 =	sld [smem:$0x3FBA]  }
0x3d: {  	_ =	shalt  }
0x3e: {  	_ =	shalt  }
0x3f: {  	_ =	shalt  }
0x40: {  	_ =	shalt  }
0x41: {  	_ =	shalt  }
0x42: {  	_ =	shalt  }
0x43: {  	_ =	shalt  }
0x44: {  	_ =	shalt  }
0x45: {  	_ =	shalt  }
0x46: {  	_ =	shalt  }
0x47: {  	_ =	shalt  }
0x48: {  	_ =	shalt  }
0x49: {  	_ =	shalt  }
0x4a: {  	_ =	shalt  }
0x4b: {  	_ =	shalt  }
0x4c: {  	_ =	shalt  }
0x4d: {  	_ =	shalt  }
0x4e: {  	_ =	shalt  }
0x4f: {  	_ =	shalt  }
0x50: {  	_ =	shalt  }
0x51: {  	_ =	shalt  }
0x52: {  	_ =	shalt  }
0x53: {  	_ =	shalt  }
0x54: {  	_ =	shalt  }
0x55: {  	_ =	shalt  }
0x56: {  	_ =	shalt  }
0x57: {  	_ =	shalt  }
0x58: {  	_ =	shalt  }
0x59: {  	_ =	shalt  }
0x5a: {  	_ =	shalt  }
0x5b: {  	_ =	shalt  }
0x5c: {  	_ =	shalt  }
0x5d: {  	_ =	shalt  }
0x5e: {  	_ =	shalt  }
0x5f: {  	_ =	shalt  }
0x60: {  	_ =	shalt  }
0x61: {  	_ =	shalt  }
0x62: {  	_ =	shalt  }
0x63: {  	_ =	shalt  }
0x64: {  	_ =	shalt  }
0x65: {  	_ =	shalt  }
0x66: {  	_ =	shalt  }
0x67: {  	_ =	shalt  }
0x68: {  	_ =	shalt  }
0x69: {  	_ =	shalt  }
0x6a: {  	_ =	shalt  }
0x6b: {  	_ =	shalt  }
0x6c: {  	_ =	shalt  }
0x6d: {  	_ =	shalt  }
0x6e: {  	_ =	shalt  }
0x6f: {  	_ =	shalt  }
0x70: {  	_ =	shalt  }
0x71: {  	_ =	shalt  }
0x72: {  	_ =	shalt  }
0x73: {  	_ =	shalt  }
0x74: {  	_ =	shalt  }
0x75: {  	_ =	shalt  }
0x76: {  	_ =	shalt  }
0x77: {  	_ =	shalt  }
0x78: {  	_ =	shalt  }
0x79: {  	_ =	shalt  }
0x7a: {  	_ =	shalt  }
0x7b: {  	_ =	shalt  }
0x7c: {  	_ =	shalt  }
0x7d: {  	_ =	shalt  }
0x7e: {  	_ =	shalt  }
0x7f: {  	_ =	shalt  }
0x80: {  	_ =	shalt  }
0x81: {  	_ =	shalt  }
0x82: {  	_ =	shalt  }
0x83: {  	_ =	shalt  }
0x84: {  	_ =	shalt  }
0x85: {  	_ =	shalt  }
0x86: {  	_ =	shalt  }
0x87: {  	_ =	shalt  }
.Lfunc_end0:
.L_simem_size_0:
called_computation.1_lowered:
.L_overlay_start_0:
0x88: {  	s2 =	sld [smem:$0x3FD9]  }
0x89: {  	s3 =	sld [smem:$0x3FFE];
	_ =	sdelay $0x1  }
0x8a: {  	s1 =	srdreg.scid  }
0x8b: {  	s0 =	sand.u32 $0x1, s1  }
0x8c: {  	s17 =	sshll.u32 s0, $0xA;
	s2 =	sadd.s32 s3, s2  }
0x8d: {  	s2 =	sadd.s32 s2, s17  }
0x8e: {  	[smem:$0x3FC6] =	sst s2  }
0x8f: {  	_ = 	snop  }
0x90: {  	s2 =	sld [smem:$0x3FD0];
	(tm) =	ssettm $0x1  }
0x91: {  	s18 =	sld [smem:$0x3FFB];
	_ =	sdelay $0x3  }
0x92: {  	_ =	strace s18  }
0x93: {  	s3 =	sld [smem:$0x3FFC];
	_ =	sdelay $0x3  }
0x94: {  	_ =	strace s3  }
0x95: {  	s3 =	sld [smem:$0x3FFD];
	_ =	sdelay $0x3  }
0x96: {  	_ =	strace s3  }
0x97: {  	_ =	strace $0x8FFFFFFF  }
0x98: {  	s19 =	sld [smem:$0x3FDB];
	_ =	sdelay $0x1  }
0x99: {  	s4 =	simm.s32 $_scs_section_size  }
0x9a: {  	s5 =	simm.s32 $_size__tile_overlayer_lowered;
	s6 =	simm.s32 $_tile_overlayer_lowered  }
0x9b: {  	s22 =	simm.s32 $0x1BFF;
	s21 =	sshll.u32 s6, $0x1;
	s3 =	sadd.s32 s4, s19  }
0x9c: {  	s7 =	simm.s32 $0x0;
	s20 =	sshll.u32 s5, $0x1;
	s5 =	sadd.s32 s21, s3  }
0x9d: {  	[timem:s7], [sflag:s22] =	dma.local [hbm:s5], s20  }
0x9e: {  	_ =	swait.ge [sflag:s22], s20  }
0x9f: {  	s4 =	ssub.s32 $0x0, s20;
	[sflag:s22] =	ssyncset.done $0x0  }
0xa0: {  	[sflag:s22] =	ssyncadd.s32 s4;
	_ =	sdelay $0x1  }
0xa1: {  	s23 =	simm.s32 $0x1B8B  }
0xa2: {  	_ =	swait.ge [sflag:s23], $0x1  }
0xa3: {  	[sflag:s23] =	ssyncset.done $0x0  }
0xa4: {  	s25 =	simm.s32 $0x1B8E;
	s24 =	sld [smem:$0x3FFE];
	[sflag:s23] =	ssyncadd.s32 $0xFFFFFFFF  }
0xa5: {  	s26 =	simm.s32 $execute0_lowered;
	[smem:$0x3FD2] =	sst s25  }
0xa6: {  	s5 =	sshll.u32 s26, $0x1;
	_ =	strace $0x80000046;
	[dreg:$0x1] =	wrdreg $0xFFFFFFFF  }
0xa7: {  	s28 =	simm.s32 $_size_execute0_lowered;
	s3 =	sadd.s32 s3, s5;
	[dreg:$0x0] =	wrdreg $0x0  }
0xa8: {  	s5 =	sshll.u32 s28, $0x1;
	[dreg:$0x2] =	wrdreg s3  }
0xa9: {  	[dreg:$0x3] =	wrdreg s5  }
0xaa: {  	[dreg:$0x4] =	wrdreg $0xC0  }
0xab: {  	_ =	task [dreg:s7], $0x5FFFF  }
0xac: {  	[dreg:$0x1] =	wrdreg $0xFFFFFFFF  }
0xad: {  	[dreg:$0x0] =	wrdreg $0x60  }
0xae: {  	[dreg:$0x2] =	wrdreg s24  }
0xaf: {  	[dreg:$0x3] =	wrdreg s2  }
0xb0: {  	[dreg:$0x4] =	wrdreg $0x9  }
0xb1: {  	_ =	task.clear_ibuf [dreg:s7], $0x5FFFF;
	_ =	strace $0x90000046  }
0xb2: {  	s29 =	simm.s32 $0x9;
	_ =	strace $0x80000048  }
0xb3: {  	_ =	swait.ge [sflag:s29], $0x1  }
0xb4: {  	[sflag:s29] =	ssyncadd.s32 $0xFFFFFFFF  }
0xb5: {  	_ =	strace $0x90000048  }
0xb6: {  	_ =	sfence  }
0xb7: {  	s30 =	sld [smem:$0x0];
	_ =	sdelay $0x2  }
0xb8: {  	s31 =	sshll.u32 s1, $0xD;
	s1 =	sshrl.u32 s1, $0x2  }
0xb9: {  	s3 =	sand.u32 $0x4000, s31;
	s1 =	sadd.s32 s1, s30  }
0xba: {  	s0 =	sor.u32 s3, s0;
	s1 =	sshll.u32 s1, $0x11  }
0xbb: {  	s0 =	sor.u32 s1, s0  }
0xbc: {  	s0 =	sadd.s32 $0x8F2B, s0  }
0xbd: {  	[sflag:s0] =	ssyncadd.remote.s32 $0x1  }
0xbe: {  	_ =	sfence.sel $0xFFFF  }
0xbf: {  	[dreg:$0x0] =	wrdreg $0xFFFFFFFF;
	(pc) =	sbr.abs _section_cstart, $3  }
0xc0: {  	[dreg:$0x1] =	wrdreg $0xFFFFFFFF  }
0xc1: {  	_ =	task.clear_ibuf [dreg:s7], $0x2FFFF;
	_ =	strace $0x9FFFFFFF  }
0xc2: {  	(tm) =	ssettm $0x7FFFFFFF  }
0xc3: {  	_ =	shalt  }
tec
execute0_lowered:
.L_overlay_start_1:
0x0: {  	(tag) =	ssettag $0x1  }
0x1: {  	s4 =	rddreg [dreg:$0x0]  }
0x2: {  	s5 =	rddreg [dreg:$0x1]  }
0x3: {  	s0 =	rddreg [dreg:$0x2];
	s3 =	srdreg.scid  }
0x4: {  	s1 =	stileid.u32;
	s2 =	simm.s32 $0x0;
	s13 =	simm.s32 $0x5900  }
0x5: {  	s14 =	simm.s32 $0x1;
	s15 =	simm.s32 $0x2;
	s16 =	simm.s32 $0x1880  }
0x6: {  	s17 =	simm.s32 $0x0;
	s6 =	sand.u32 $0x1, s3;
	s26 =	smul.u32 $0x190000, s1  }
0x7: {  	s25 =	sshll.u32 s1, $0x1;
	[smem:$0x7FF] =	sst s2;
	s12 =	smul.u32 $0x32000, s1  }
0x8: {  	s3 =	sadd.s32 $0x800, s4;
	s11 =	sadd.s32 $0xF42C00, s4;
	s29 =	smul.u32 $0xC8000, s6  }
0x9: {  	s7 =	sor.u32 s6, s25;
	s8 =	ssub.s32 $0x2, s6;
	s30 =	smul.u32 $0x19000, s6  }
0xa: {  	_ =	strace $0x80000047;
	s9 =	smul.u32 $0x1900, s7;
	s10 =	sshrl.u32 s8, $0x1  }
0xb: {  	s7 =	smul.u32 $0xC8000, s7;
	s12 =	sadd.s32 s12, s11;
	s8 =	ssub.s32 s8, s10  }
0xc: {  	s31 =	sadd.s32 s30, s12;
	s10 =	simm.s32 $0x3;
	s12 =	simm.s32 $0x1900  }
0xd: {  	s28 =	sshrl.u32 s9, $0x3;
	s7 =	sshrl.u32 s7, $0x3;
	s9 =	sadd.s32 s29, s26  }
0xe: {  	s4 =	sadd.s32 s5, s28;
	s7 =	sadd.s32 s11, s7;
	s9 =	sshrl.u32 s9, $0x3  }
0xf: {  	s5 =	sadd.s32 $0x18000, s7;
	s6 =	sadd.s32 $0x18800, s7;
	s7 =	smax.u32 s8, $0x1  }
0x10: {  	s8 =	sadd.s32 s9, s11;
	s9 =	sadd.s32 $0x800, s31;
	s11 =	simm.s32 $0x80  }
.LBB2_1:
0x11: {  	[tilespmem:s2], [sflag:$0x3] =	stream.linear.gather [hbm4b:s4+s2], $0x1900, $0x38;
	[tilespmem:$0x9900] =	vst v63  }
0x12: {  	_ =	swait.ge [sflag:s10], $0x1900  }
0x13: {  	[sflag:s10] =	ssyncset.done $0x0  }
0x14: {  	[sflag:s10] =	ssyncadd.s32 $0xFFFFE700  }
0x15: {  	[tilespmem:s12], [sflag:$0x1] =	stream.indirect.gather [hbm4b:s3+s11], $0x80, s2, s11, $0xb8;
	[tilespmem:$0x9900] =	vst v63  }
0x16: {  	s18 =	simm.s32 $0x80  }
0x17: {  	[tilespmem:s13], [sflag:$0x2] =	stream.indirect.gather [hbm4b:s3+s11], $0x80, s18, s11, $0xb8;
	[tilespmem:$0x9900] =	vst v63  }
0x18: {  	_ =	swait.ge [sflag:s14], $0x4000  }
0x19: {  	[sflag:s14] =	ssyncset.done $0x0  }
0x1a: {  	s29 =	sadd.s32 $0x0, s8;
	[sflag:s14] =	ssyncadd.s32 $0xFFFFC000  }
0x1b: {  	[hbm4b:s29+s2] =	stream.linear.scatter [tilespmem:s12], [sflag:$0x3], $0x4000, $0x38;
	[tilespmem:$0x9900] =	vst v63  }
0x1c: {  	_ =	swait.ge [sflag:s10], $0x4000  }
0x1d: {  	[sflag:s10] =	ssyncset.done $0x0  }
0x1e: {  	s30 =	simm.s32 $0x100;
	[sflag:s10] =	ssyncadd.s32 $0xFFFFC000  }
0x1f: {  	[tilespmem:s12], [sflag:$0x1] =	stream.indirect.gather [hbm4b:s3+s11], $0x80, s30, s11, $0xb8;
	[tilespmem:$0x9900] =	vst v63  }
0x20: {  	_ =	swait.ge [sflag:s15], $0x4000  }
0x21: {  	[sflag:s15] =	ssyncset.done $0x0  }
0x22: {  	s31 =	sadd.s32 $0x0, s9;
	[sflag:s15] =	ssyncadd.s32 $0xFFFFC000  }
0x23: {  	[hbm4b:s31+s2] =	stream.linear.scatter [tilespmem:s13], [sflag:$0x3], $0x4000, $0x38;
	[tilespmem:$0x9900] =	vst v63  }
0x24: {  	s20 =	simm.s32 $0x2000;
	_ =	swait.ge [sflag:s10], $0x4000  }
0x25: {  	s19 =	simm.s32 $0x200;
	s18 =	simm.s32 $0x1000;
	[sflag:s10] =	ssyncset.done $0x0  }
.LBB2_2:
0x26: {  	p0 =	sne.s32 s20, $0x17000;
	s21 =	sadd.s32 $0xFFFFFF80, s19;
	[sflag:s10] =	ssyncadd.s32 $0xFFFFC000  }
0x27: {  	[tilespmem:s13], [sflag:$0x2] =	stream.indirect.gather [hbm4b:s3+s11], $0x80, s21, s11, $0xb8;
	[tilespmem:$0x9900] =	vst v63  }
0x28: {  	s21 =	smov.u32 s20;
	s20 =	sadd.s32 $0x1000, s20;
	_ =	swait.ge [sflag:s14], $0x4000  }
0x29: {  	[sflag:s14] =	ssyncset.done $0x0  }
0x2a: {  	s22 =	sadd.s32 s18, s8;
	[sflag:s14] =	ssyncadd.s32 $0xFFFFC000  }
0x2b: {  	[hbm4b:s22+s2] =	stream.linear.scatter [tilespmem:s12], [sflag:$0x3], $0x4000, $0x38;
	[tilespmem:$0x9900] =	vst v63  }
0x2c: {  	_ =	swait.ge [sflag:s10], $0x4000  }
0x2d: {  	[sflag:s10] =	ssyncset.done $0x0  }
0x2e: {  	[sflag:s10] =	ssyncadd.s32 $0xFFFFC000  }
0x2f: {  	[tilespmem:s12], [sflag:$0x1] =	stream.indirect.gather [hbm4b:s3+s11], $0x80, s19, s11, $0xb8;
	[tilespmem:$0x9900] =	vst v63  }
0x30: {  	_ =	swait.ge [sflag:s15], $0x4000  }
.Ltmp0:
0x31: {  	[sflag:s15] =	ssyncset.done $0x0;
	(pc) =	sbr.rel @p0 .LBB2_2-.Ltmp0, $4  }
0x32: {  	s22 =	sadd.s32 s18, s9;
	s18 =	smov.u32 s21;
	[sflag:s15] =	ssyncadd.s32 $0xFFFFC000  }
0x33: {  	[hbm4b:s22+s2] =	stream.linear.scatter [tilespmem:s13], [sflag:$0x3], $0x4000, $0x38;
	[tilespmem:$0x9900] =	vst v63  }
0x34: {  	_ =	swait.ge [sflag:s10], $0x4000  }
0x35: {  	s19 =	sadd.s32 $0x100, s19;
	[sflag:s10] =	ssyncset.done $0x0  }
0x36: {  	s20 =	sadd.s32 $0xFFFFFF80, s19;
	[sflag:s10] =	ssyncadd.s32 $0xFFFFC000  }
0x37: {  	[tilespmem:s13], [sflag:$0x2] =	stream.indirect.gather [hbm4b:s3+s11], $0x80, s20, s11, $0xb8;
	[tilespmem:$0x9900] =	vst v63  }
0x38: {  	_ =	swait.ge [sflag:s14], $0x4000  }
0x39: {  	[sflag:s14] =	ssyncset.done $0x0  }
0x3a: {  	s30 =	sadd.s32 s18, s8;
	[sflag:s14] =	ssyncadd.s32 $0xFFFFC000  }
0x3b: {  	[hbm4b:s30+s2] =	stream.linear.scatter [tilespmem:s12], [sflag:$0x3], $0x4000, $0x38;
	[tilespmem:$0x9900] =	vst v63  }
0x3c: {  	_ =	swait.ge [sflag:s10], $0x4000  }
0x3d: {  	[sflag:s10] =	ssyncset.done $0x0  }
0x3e: {  	[sflag:s10] =	ssyncadd.s32 $0xFFFFC000  }
0x3f: {  	[tilespmem:s12], [sflag:$0x1] =	stream.indirect.gather [hbm4b:s3+s11], $0x80, s19, s11, $0xb8;
	[tilespmem:$0x9900] =	vst v63  }
0x40: {  	_ =	swait.ge [sflag:s15], $0x4000  }
0x41: {  	[sflag:s15] =	ssyncset.done $0x0  }
0x42: {  	s31 =	sadd.s32 s18, s9;
	[sflag:s15] =	ssyncadd.s32 $0xFFFFC000  }
0x43: {  	[hbm4b:s31+s2] =	stream.linear.scatter [tilespmem:s13], [sflag:$0x3], $0x4000, $0x38;
	[tilespmem:$0x9900] =	vst v63  }
0x44: {  	_ =	swait.ge [sflag:s10], $0x4000  }
0x45: {  	[sflag:s10] =	ssyncset.done $0x0  }
0x46: {  	[sflag:s10] =	ssyncadd.s32 $0xFFFFC000  }
0x47: {  	[tilespmem:s13], [sflag:$0x2] =	stream.indirect.gather [hbm4b:s3+s11], $0x80, s16, s11, $0xb8;
	[tilespmem:$0x9900] =	vst v63  }
0x48: {  	_ =	swait.ge [sflag:s14], $0x4000  }
0x49: {  	[sflag:s14] =	ssyncset.done $0x0  }
0x4a: {  	[sflag:s14] =	ssyncadd.s32 $0xFFFFC000  }
0x4b: {  	[hbm4b:s5+s2] =	stream.linear.scatter [tilespmem:s12], [sflag:$0x3], $0x4000, $0x38;
	[tilespmem:$0x9900] =	vst v63  }
0x4c: {  	_ =	swait.ge [sflag:s10], $0x4000  }
0x4d: {  	[sflag:s10] =	ssyncset.done $0x0  }
0x4e: {  	[sflag:s10] =	ssyncadd.s32 $0xFFFFC000  }
0x4f: {  	s17 =	sadd.s32 $0x1, s17;
	_ =	swait.ge [sflag:s15], $0x4000  }
0x50: {  	p0 =	sne.s32 s17, s7;
	[sflag:s15] =	ssyncset.done $0x0  }
.Ltmp1:
0x51: {  	[sflag:s15] =	ssyncadd.s32 $0xFFFFC000;
	(pc) =	sbr.rel @p0 .LBB2_1-.Ltmp1, $4  }
0x52: {  	[hbm4b:s6+s2] =	stream.linear.scatter [tilespmem:s13], [sflag:$0x3], $0x4000, $0x38;
	[tilespmem:$0x9900] =	vst v63  }
0x53: {  	_ =	swait.ge [sflag:s10], $0x4000  }
0x54: {  	[sflag:s10] =	ssyncset.done $0x0  }
0x55: {  	[sflag:s10] =	ssyncadd.s32 $0xFFFFC000  }
0x56: {  	_ =	sfence.sel $0x180000  }
0x57: {  	[bflag:$0x0] =	sbarrier.arrive $0xFFFF  }
0x58: {  	p0 =	sne.s32 s1, $0x0;
	_ =	strace $0x90000047  }
0x59: {  	s0 =	sadd.s32 @!p0 $0x100000, s0;
	[bflag:$0x2] =	sbarrier.arrive $0xFFFF  }
0x5a: {  	[sflag:s0] =	ssyncadd.tile.s32 @!p0 $0x1;
	_ =	shalt  }
.Lfunc_end2:
_tile_overlayer_lowered:
.L_overlay_start_2:
0x5b: {  	(tag) =	ssettag $0x2  }
0x5c: {  	s0 =	rddreg [dreg:$0x0];
	s2 =	stileid.u32  }
0x5d: {  	s1 =	rddreg [dreg:$0x1];
	p0 =	sne.s32 s2, $0x0  }
0x5e: {  	s3 =	rddreg [dreg:$0x2];
	[bflag:$0x3] =	sbarrier.arrive $0xFFFF;
	s2 =	simm.s32 @!p0 $0x1C03  }
0x5f: {  	[timem:s3], [sflag:s2] =	dma.local @!p0 [hbm:s0], s1  }
0x60: {  	s0 =	simm.s32 @!p0 $0x3  }
0x61: {  	_ =	swait.ge @!p0 [sflag:s0], s1  }
0x62: {  	s1 =	ssub.s32 @!p0 $0x0, s1;
	[sflag:s0] =	ssyncset.done @!p0 $0x0  }
0x63: {  	[sflag:s0] =	ssyncadd.s32 @!p0 s1  }
0x64: {  	[bflag:$0x3] =	sbarrier.arrive $0xFFFF  }
0x65: {  	_ =	shalt  }

// kernel: sparse-core-data-format-call.cloned.1.call-start
scs
called_computation_lowered:
.L_overlay_start_0:
0x0: {  	s2 =	sld [smem:$0x3FD9]  }
0x1: {  	s3 =	sld [smem:$0x3FFE];
	_ =	sdelay $0x1  }
0x2: {  	s1 =	srdreg.scid  }
0x3: {  	s0 =	sand.u32 $0x1, s1  }
0x4: {  	s18 =	sshll.u32 s0, $0xA;
	s2 =	sadd.s32 s3, s2  }
0x5: {  	s2 =	sadd.s32 s2, s18  }
0x6: {  	[smem:$0x3FC6] =	sst s2  }
0x7: {  	_ = 	snop  }
0x8: {  	s2 =	sld [smem:$0x3FD0];
	(tm) =	ssettm $0x1  }
0x9: {  	s19 =	sld [smem:$0x3FFB];
	_ =	sdelay $0x3  }
0xa: {  	_ =	strace s19  }
0xb: {  	s3 =	sld [smem:$0x3FFC];
	_ =	sdelay $0x3  }
0xc: {  	_ =	strace s3  }
0xd: {  	s3 =	sld [smem:$0x3FFD];
	_ =	sdelay $0x3  }
0xe: {  	_ =	strace s3  }
0xf: {  	_ =	strace $0x8FFFFFFF  }
0x10: {  	s20 =	sld [smem:$0x3FDB];
	_ =	sdelay $0x1  }
0x11: {  	s4 =	simm.s32 $_scs_section_size  }
0x12: {  	s5 =	simm.s32 $_size__tile_overlayer_lowered;
	s6 =	simm.s32 $_tile_overlayer_lowered  }
0x13: {  	s23 =	simm.s32 $0x1BFF;
	s22 =	sshll.u32 s6, $0x1;
	s3 =	sadd.s32 s4, s20  }
0x14: {  	s7 =	simm.s32 $0x0;
	s21 =	sshll.u32 s5, $0x1;
	s5 =	sadd.s32 s22, s3  }
0x15: {  	[timem:s7], [sflag:s23] =	dma.local [hbm:s5], s21  }
0x16: {  	_ =	swait.ge [sflag:s23], s21  }
0x17: {  	s4 =	ssub.s32 $0x0, s21;
	[sflag:s23] =	ssyncset.done $0x0  }
0x18: {  	[sflag:s23] =	ssyncadd.s32 s4;
	_ =	sdelay $0x1  }
0x19: {  	s24 =	simm.s32 $0x1B8B  }
0x1a: {  	_ =	swait.ge [sflag:s24], $0x1  }
0x1b: {  	[sflag:s24] =	ssyncset.done $0x0  }
0x1c: {  	s26 =	simm.s32 $0x1B8E;
	s25 =	sld [smem:$0x3FFE];
	[sflag:s24] =	ssyncadd.s32 $0xFFFFFFFF  }
0x1d: {  	s27 =	simm.s32 $execute0_lowered;
	[smem:$0x3FD2] =	sst s26  }
0x1e: {  	s5 =	sshll.u32 s27, $0x1;
	_ =	strace $0x80000049;
	[dreg:$0x1] =	wrdreg $0xFFFFFFFF  }
0x1f: {  	s28 =	simm.s32 $_size_execute0_lowered;
	s3 =	sadd.s32 s3, s5;
	[dreg:$0x0] =	wrdreg $0x0  }
0x20: {  	s5 =	sshll.u32 s28, $0x1;
	[dreg:$0x2] =	wrdreg s3  }
0x21: {  	[dreg:$0x3] =	wrdreg s5  }
0x22: {  	[dreg:$0x4] =	wrdreg $0xC0  }
0x23: {  	_ =	task [dreg:s7], $0x5FFFF  }
0x24: {  	[dreg:$0x1] =	wrdreg $0xFFFFFFFF  }
0x25: {  	[dreg:$0x0] =	wrdreg $0x60  }
0x26: {  	[dreg:$0x2] =	wrdreg s25  }
0x27: {  	[dreg:$0x3] =	wrdreg s2  }
0x28: {  	[dreg:$0x4] =	wrdreg $0x9  }
0x29: {  	_ =	task.clear_ibuf [dreg:s7], $0x5FFFF;
	_ =	strace $0x90000049  }
0x2a: {  	s29 =	simm.s32 $0x9;
	_ =	strace $0x8000004B  }
0x2b: {  	_ =	swait.ge [sflag:s29], $0x1  }
0x2c: {  	[sflag:s29] =	ssyncadd.s32 $0xFFFFFFFF  }
0x2d: {  	_ =	strace $0x9000004B  }
0x2e: {  	_ =	sfence  }
0x2f: {  	s30 =	sld [smem:$0x0];
	_ =	sdelay $0x2  }
0x30: {  	s31 =	sshll.u32 s1, $0xD;
	s1 =	sshrl.u32 s1, $0x2  }
0x31: {  	s3 =	sand.u32 $0x4000, s31;
	s1 =	sadd.s32 s1, s30  }
0x32: {  	s0 =	sor.u32 s3, s0;
	s1 =	sshll.u32 s1, $0x11  }
0x33: {  	s0 =	sor.u32 s1, s0  }
0x34: {  	s0 =	sadd.s32 $0x8F2B, s0  }
0x35: {  	[sflag:s0] =	ssyncadd.remote.s32 $0x1  }
0x36: {  	_ =	sfence.sel $0xFFFF  }
0x37: {  	[dreg:$0x0] =	wrdreg $0xFFFFFFFF;
	(pc) =	sbr.abs _section_cstart, $3  }
0x38: {  	[dreg:$0x1] =	wrdreg $0xFFFFFFFF  }
0x39: {  	_ =	task.clear_ibuf [dreg:s7], $0x2FFFF;
	_ =	strace $0x9FFFFFFF  }
0x3a: {  	(tm) =	ssettm $0x7FFFFFFF  }
0x3b: {  	_ =	shalt  }
tec
execute0_lowered:
.L_overlay_start_1:
0x0: {  	(tag) =	ssettag $0x1  }
0x1: {  	s0 =	srdreg.scid  }
0x2: {  	s1 =	sshll.u32 s0, $0x4  }
0x3: {  	s5 =	rddreg [dreg:$0x0];
	s0 =	stileid.u32;
	s1 =	sand.u32 $0x10, s1  }
0x4: {  	s3 =	rddreg [dreg:$0x1];
	s31 =	simm.s32 $0x2;
	s4 =	sor.u32 s0, s1  }
0x5: {  	s13 =	simm.s32 $0x0;
	s9 =	simm.s32 $0x400;
	s2 =	sshll.u32 s4, $0x7  }
0x6: {  	s10 =	simm.s32 $0x8000;
	s14 =	simm.s32 $0x0;
	s6 =	ssub.s32 $0x1000, s2  }
0x7: {  	s1 =	rddreg [dreg:$0x2];
	_ =	strace $0x8000004A;
	s7 =	sand.u32 $0xF80, s6  }
0x8: {  	s4 =	sshll.u32 s4, $0xB;
	p0 =	sne.s32 s7, $0x0;
	s7 =	simm.s32 $0x1  }
.Ltmp0:
0x9: {  	s6 =	sshrl.u32 s6, $0xC;
	s7 =	simm.s32 @!p0 $0x0;
	(pc) =	sbr.rel .LBB1_1-.Ltmp0, $4  }
0xa: {  	s8 =	sadd.s32 s4, s5;
	s4 =	simm.s32 $0x1;
	s30 =	sadd.s32 s7, s6  }
0xb: {  	s11 =	simm.s32 $0x0;
	[sflag:s4] =	ssyncpa.u1 $0x0;
	s5 =	smul.u32 $0x19, s30  }
0xc: {  	s12 =	simm.s32 $0x0;
	[sflag:s31] =	ssyncpa.u1 $0x0;
	p0 =	por $0x0, $0x0  }
0xd: {  	s6 =	sadd.s32 $0xF42C00, s8;
	s7 =	sadd.s32 $0xF52C00, s8;
	s8 =	sadd.s32 $0x1, s5  }
.LBB1_7:
0xe: {  	s15 =	sadd.s32 $0x2, s11  }
0xf: {  	p2 =	sgt.s32 s15, $0x31  }
0x10: {  	s15 =	simm.s32 @p2 $0x0;
	p2 =	sne.s32 s12, s8  }
.Ltmp1:
0x11: {  	p1 =	slt.u32 s12, $0x2;
	(pc) =	sbr.rel @!p2 .LBB1_8-.Ltmp1, $4  }
0x12: {  	s13 =	simm.s32 @!p1 $0x2  }
0x13: {  	s16 =	sadd.s32 $0x1, s12;
	s14 =	smov.u32 s11;
	_ =	swait.ge @!p1 [sflag:s13], $0x4000  }
0x14: {  	p0 =	por !p0, !p0;
	s12 =	smov.u32 s16;
	[sflag:s13] =	ssyncset.done @!p1 $0x0  }
0x15: {  	s11 =	smov.u32 s15;
	[sflag:s13] =	ssyncadd.s32 @!p1 $0xFFFFC000;
	s13 =	smov.u32 s2  }
.LBB1_1:
0x16: {  	p1 =	sge.u32 s12, s5  }
0x17: {  	s15 =	sxor.u32 @!p1 $0xFFFFFFFF, s12  }
0x18: {  	s16 =	sshll.u32 @!p1 s11, $0x10;
	s18 =	simm.s32 @!p1 $0x40;
	s15 =	sshll.u32 @!p1 s15, $0xE  }
0x19: {  	s19 =	simm.s32 @!p1 $0x80;
	s17 =	sadd.s32 @!p1 s16, s6;
	s15 =	sand.u32 @!p1 $0x4000, s15  }
0x1a: {  	[tilespmem:s15], [sflag:$0x1] =	stream.strided.gather @!p1 [hbm4b:s17+s18], $0x2000, s19, s18, $0x38;
	[tilespmem:$0x10100] =	vst v63  }
0x1b: {  	s31 =	sadd.s32 $0xFFFFFFFF, s12;
	s16 =	sadd.s32 @!p1 s16, s7;
	s15 =	sor.u32 @!p1 $0x2000, s15  }
0x1c: {  	[tilespmem:s15], [sflag:$0x1] =	stream.strided.gather @!p1 [hbm4b:s16+s18], $0x2000, s19, s18, $0x38;
	[tilespmem:$0x10100] =	vst v63  }
0x1d: {  	p1 =	sge.u32 s31, s5  }
.Ltmp2:
0x1e: {  	_ = 	snop;
	(pc) =	sbr.rel @p1 .LBB1_7-.Ltmp2, $1  }
0x1f: {  	_ =	sdelay $0x3  }
0x20: {  	s15 =	simm.s32 $0x1;
	s17 =	sand.u32 $0x1, s12  }
0x21: {  	_ =	swait.ge [sflag:s4], $0x4000;
	s15 =	simm.s32 @!p0 $0x0;
	s17 =	smul.u32 $0x10200, s17  }
0x22: {  	p2 =	por $0x1, $0x1;
	[sflag:s4] =	ssyncset.done $0x0;
	s16 =	smul.u32 $0x10200, s15  }
0x23: {  	s18 =	sshll.u32 s15, $0x10;
	[sflag:s4] =	ssyncadd.s32 $0xFFFFC000;
	s30 =	sshrl.u32 s17, $0x2  }
0x24: {  	s31 =	sshrl.u32 s18, $0x2;
	s18 =	simm.s32 $0x0;
	s16 =	sshrl.u32 s16, $0x2  }
0x25: {  	s15 =	sor.u32 $0x8000, s30;
	s17 =	sadd.s32 $0x20, s31;
	s16 =	sor.u32 $0x8000, s16  }
.LBB1_3:
0x26: {  	s19 =	sshll.u32 s18, $0xD  }
0x27: {  	s19 =	sand.u32 $0x3FFFE000, s19  }
0x28: {  	s21 =	sadd.s32 s19, s17  }
0x29: {  	s31 =	smul.u32 $0x8100, s18;
	v3 =	vld [tilespmem:s21+$0x10]  }
0x2a: {  	v1 =	vld [tilespmem:s21+$0xFFFFFFF0]  }
0x2b: {  	s18 =	sshra.s32 s31, $0x2;
	v0 =	vld [tilespmem:s21+$0x0]  }
0x2c: {  	s18 =	sadd.s32 s18, s16;
	v2 =	vld [tilespmem:s21+$0xFFFFFFE0]  }
0x2d: {  	s19 =	sadd.s32 $0x0, s18  }
0x2e: {  	p1 =	por p2, p2;
	s20 =	simm.s32 $0x4;
	s21 =	sadd.s32 $0x40, s21;
	[tilespmem:s19+$0x1830 ss:$0x81] =	vst.msk $0xffff, v3  }
.LBB1_4:
0x2f: {  	v3 =	vld [tilespmem:s21+$0x10];
	p2 =	sne.s32 s20, $0x1FC;
	[tilespmem:s19+$0x810 ss:$0x81] =	vst.msk $0xffff, v1;
	s22 =	smov.u32 s20;
	s20 =	sadd.s32 $0x4, s20  }
.Ltmp3:
0x30: {  	v1 =	vld [tilespmem:s21+$0xFFFFFFF0];
	[tilespmem:s19+$0x1020 ss:$0x81] =	vst.msk $0xffff, v0;
	(pc) =	sbr.rel @p2 .LBB1_4-.Ltmp3, $4  }
0x31: {  	v0 =	vld [tilespmem:s21+$0x0];
	[tilespmem:s19+$0x0 ss:$0x81] =	vst.msk $0xffff, v2  }
0x32: {  	s19 =	sshra.s32 s22, $0x2;
	v2 =	vld [tilespmem:s21+$0xFFFFFFE0]  }
0x33: {  	s19 =	sadd.s32 s19, s18  }
0x34: {  	s21 =	sadd.s32 $0x40, s21;
	[tilespmem:s19+$0x1830 ss:$0x81] =	vst.msk $0xffff, v3  }
.Ltmp4:
0x35: {  	(pc) =	sbr.rel @p1 .LBB1_3-.Ltmp4, $4  }
0x36: {  	_ = 	snop  }
0x37: {  	[tilespmem:s19+$0x810 ss:$0x81] =	vst.msk $0xffff, v1  }
0x38: {  	[tilespmem:s19+$0x1020 ss:$0x81] =	vst.msk $0xffff, v0  }
0x39: {  	s18 =	simm.s32 $0x1;
	p2 =	por $0x0, $0x0;
	[tilespmem:s19+$0x0 ss:$0x81] =	vst.msk $0xffff, v2  }
.Ltmp5:
0x3a: {  	(pc) =	sbr.rel .LBB1_7-.Ltmp5, $4  }
0x3b: {  	s14 =	sshll.u32 s14, $0xF  }
0x3c: {  	s14 =	sadd.s32 s3, s14  }
0x3d: {  	s13 =	sadd.s32 s13, s14  }
0x3e: {  	[hbm4b:s13+s9] =	stream.strided.scatter [tilespmem:s15], [sflag:$0x2], $0x4000, s10, s9, $0x20;
	[tilespmem:$0x10100] =	vst v63  }
.LBB1_8:
0x3f: {  	_ =	sfence.sel $0x180000  }
0x40: {  	s2 =	simm.s32 $0x1;
	[bflag:$0x0] =	sbarrier.arrive $0xFFFF  }
0x41: {  	s31 =	simm.s32 $0x2;
	[sflag:s2] =	ssyncpa.u1 $0x1  }
0x42: {  	[sflag:s31] =	ssyncpa.u1 $0x1  }
0x43: {  	p0 =	sne.s32 s0, $0x0;
	_ =	strace $0x9000004A  }
0x44: {  	s0 =	sadd.s32 @!p0 $0x100000, s1;
	[bflag:$0x2] =	sbarrier.arrive $0xFFFF  }
0x45: {  	[sflag:s0] =	ssyncadd.tile.s32 @!p0 $0x1;
	_ =	shalt  }
.Lfunc_end1:
_tile_overlayer_lowered:
.L_overlay_start_2:
0x46: {  	(tag) =	ssettag $0x2  }
0x47: {  	s0 =	rddreg [dreg:$0x0];
	s2 =	stileid.u32  }
0x48: {  	s1 =	rddreg [dreg:$0x1];
	p0 =	sne.s32 s2, $0x0  }
0x49: {  	s3 =	rddreg [dreg:$0x2];
	[bflag:$0x3] =	sbarrier.arrive $0xFFFF;
	s2 =	simm.s32 @!p0 $0x1C01  }
0x4a: {  	[timem:s3], [sflag:s2] =	dma.local @!p0 [hbm:s0], s1  }
0x4b: {  	s0 =	simm.s32 @!p0 $0x1  }
0x4c: {  	_ =	swait.ge @!p0 [sflag:s0], s1  }
0x4d: {  	s1 =	ssub.s32 @!p0 $0x0, s1;
	[sflag:s0] =	ssyncset.done @!p0 $0x0  }
0x4e: {  	[sflag:s0] =	ssyncadd.s32 @!p0 s1  }
0x4f: {  	[bflag:$0x3] =	sbarrier.arrive $0xFFFF  }
0x50: {  	_ =	shalt  }

</sc_bundles>
